<compile_context>
chip_gen: v7x
topology: tpu7x:2x2x1
jax: 0.10.2.dev20260603
libtpu: 0.0.44.dev20260713+nightly
codegen_flags: <defaults>
</compile_context>

<pallas_src>
import functools

import jax
import jax.numpy as jnp
from jax import lax
from jax.experimental import pallas as pl
from jax.experimental.pallas import tpu as pltpu
from jax.experimental.pallas import tpu_sc as plsc

_L_BLOCK = 512
_TILE_R = 16


def _tc_body(x_ref, t_ref, o_ref):
    o_ref[...] = x_ref[...] + t_ref[...][None, :, :]


def _tc_add(x, table):
    B, L, D = x.shape
    lb = min(_L_BLOCK, L)
    return pl.pallas_call(
        _tc_body,
        grid=(L // lb,),
        in_specs=[
            pl.BlockSpec((B, lb, D), lambda i: (0, i, 0)),
            pl.BlockSpec((lb, D), lambda i: (i, 0)),
        ],
        out_specs=pl.BlockSpec((B, lb, D), lambda i: (0, i, 0)),
        out_shape=jax.ShapeDtypeStruct((B, L, D), x.dtype),
    )(x, table)


def _make_sc_add(L, D):
    info = plsc.get_sparse_core_info()
    nw = info.num_cores * info.num_subcores
    rows_per_w = L // nw
    n_tiles = rows_per_w // _TILE_R
    mesh = plsc.VectorSubcoreMesh(core_axis_name="c", subcore_axis_name="s")

    @functools.partial(
        pl.kernel,
        mesh=mesh,
        out_type=jax.ShapeDtypeStruct((L, D), jnp.float32),
        scratch_types=[
            pltpu.VMEM((_TILE_R, D), jnp.float32),
            pltpu.VMEM((_TILE_R, D), jnp.float32),
        ],
    )
    def sc_add(x_hbm, t_hbm, out_hbm, bufx, buft):
        wid = lax.axis_index("s") * info.num_cores + lax.axis_index("c")
        base = wid * rows_per_w

        def tile_body(t, _):
            r0 = base + t * _TILE_R
            pltpu.sync_copy(t_hbm.at[pl.ds(r0, _TILE_R), :], buft)
            pltpu.sync_copy(x_hbm.at[pl.ds(r0, _TILE_R), :], bufx)

            def row_body(r, _):
                def col_body(c, _):
                    c0 = c * 16
                    bufx[r, pl.ds(c0, 16)] = (
                        bufx[r, pl.ds(c0, 16)] + buft[r, pl.ds(c0, 16)]
                    )
                    return 0

                return lax.fori_loop(0, D // 16, col_body, 0)

            lax.fori_loop(0, _TILE_R, row_body, 0)
            pltpu.sync_copy(bufx, out_hbm.at[pl.ds(r0, _TILE_R), :])
            return 0

        lax.fori_loop(0, n_tiles, tile_body, 0)

    return sc_add


def kernel(x, pos_table):
    B, L, D = x.shape
    table = pos_table[:L]
    sc_out = _make_sc_add(L, D)(x[B - 1], table)
    tc_out = _tc_add(x[: B - 1], table)
    return jnp.concatenate([tc_out, sc_out[None]], axis=0)

# --- scband reference (transcript-rebuilt; emitter-appended) ---
"""Pipeline reference for scband-learned-positional-encoding1-32117765440063 (READ-ONLY COPY).

The authoritative reference and input builder live on the scoring server;
editing this copy changes nothing except your own understanding.
"""

import jax, jax.numpy as jnp
import numpy as np

D_MODEL = 1024
MAX_SEQ_LENGTH = 4096
BATCH = 4
SEQ_LEN = 4096

def setup_inputs(seed: int = 0) -> dict:
    key = jax.random.key(seed)
    k1, k2 = jax.random.split(key)
    x = jax.random.normal(k1, (BATCH, SEQ_LEN, D_MODEL), dtype=jnp.float32)
    # nn.Embedding default init: N(0, 1)
    pos_table = jax.random.normal(k2, (MAX_SEQ_LENGTH, D_MODEL), dtype=jnp.float32)
    return {"x": x, "pos_table": pos_table}

def reference(x, pos_table):
    B, L, _ = x.shape
    positions = jnp.arange(L)  # [L]
    positions = jnp.broadcast_to(positions[None, :], (B, L))  # expand to [B, L]
    position_embeddings = jnp.take(pos_table, positions, axis=0)  # [B, L, d_model]
    return x + position_embeddings

if __name__ == "__main__":
    import jax
    _d = setup_inputs()
    print(jax.jit(kernel)(*tuple(_d.values())))

</pallas_src>

<mosaic_0001>
#map = affine_map<(d0, d1) -> (0, 0)>
module attributes {stable_mosaic.version = 14 : i64} {
  func.func @sc_add(%arg0: i32, %arg1: i32, %arg2: memref<4096x1024xf32, #tpu.memory_space<hbm>>, %arg3: memref<4096x1024xf32, #tpu.memory_space<hbm>>, %arg4: memref<4096x1024xf32, #tpu.memory_space<hbm>>, %arg5: memref<16x1024xf32, #tpu.memory_space<vmem>>, %arg6: memref<16x1024xf32, #tpu.memory_space<vmem>>) attributes {dimension_semantics = [#tpu.dimension_semantics<core_parallel>, #tpu.dimension_semantics<subcore_parallel>], iteration_bounds = array<i64: 2, 16>, scalar_prefetch = 0 : i64, scratch_operands = 2 : i64, tpu.core_type = #tpu.core_type<sc_vector_subcore>, window_params = [{transform_indices = #map}, {transform_indices = #map}, {transform_indices = #map}]} {
    %mul3A = arith.constant 2 : i32
    %mul3A_0 = arith.muli %arg1, %mul3A : i32
    %add3A = arith.addi %mul3A_0, %arg0 : i32
    %mul3A_1 = arith.constant 128 : i32
    %mul3A_2 = arith.muli %add3A, %mul3A_1 : i32
    %scan3A = arith.constant 0 : i32
    %scan3A_3 = arith.constant 0 : i32
    %scan3A_4 = arith.constant 8 : i32
    %scan3A_5 = arith.addi %scan3A_3, %scan3A_4 : i32
    %scan3A_6 = arith.constant 1 : i32
    %scan3A_7 = scf.for %scan3A_9 = %scan3A_3 to %scan3A_5 step %scan3A_6 iter_args(%scan3A_10 = %scan3A) -> (i32)  : i32 {
      %mul3A_11 = arith.constant 16 : i32
      %mul3A_12 = arith.muli %scan3A_9, %mul3A_11 : i32
      %add3A_13 = arith.addi %mul3A_2, %mul3A_12 : i32
      "tpu.region"() ({
        %run_scoped3A = tpu.sem_alloc : memref<!tpu.dma_semaphore, #tpu.memory_space<semaphore_mem>>
        %dma_start3A = arith.constant 0 : i32
        %dma_start3A_22 = tpu.memref_slice %arg3[%add3A_13, %dma_start3A] : memref<4096x1024xf32, #tpu.memory_space<hbm>> -> memref<16x1024xf32, #tpu.memory_space<hbm>>
        %dma_start3A_23 = arith.constant 0 : i32
        %dma_start3A_24 = tpu.memref_slice %arg3[%add3A_13, %dma_start3A_23] : memref<4096x1024xf32, #tpu.memory_space<hbm>> -> memref<16x1024xf32, #tpu.memory_space<hbm>>
        tpu.enqueue_dma source(%dma_start3A_24 : memref<16x1024xf32, #tpu.memory_space<hbm>>) target(%arg6 : memref<16x1024xf32, #tpu.memory_space<vmem>>) target_semaphore(%run_scoped3A : memref<!tpu.dma_semaphore, #tpu.memory_space<semaphore_mem>>)
        %dma_wait3A = arith.constant 0 : i32
        %dma_wait3A_25 = tpu.memref_slice %arg3[%add3A_13, %dma_wait3A] : memref<4096x1024xf32, #tpu.memory_space<hbm>> -> memref<16x1024xf32, #tpu.memory_space<hbm>>
        %dma_wait3A_26 = arith.constant 0 : i32
        %dma_wait3A_27 = tpu.memref_slice %arg3[%add3A_13, %dma_wait3A_26] : memref<4096x1024xf32, #tpu.memory_space<hbm>> -> memref<16x1024xf32, #tpu.memory_space<hbm>>
        tpu.wait_dma2 semaphore(%run_scoped3A : memref<!tpu.dma_semaphore, #tpu.memory_space<semaphore_mem>>) src(%dma_wait3A_27 : memref<16x1024xf32, #tpu.memory_space<hbm>>) dst(%arg6 : memref<16x1024xf32, #tpu.memory_space<vmem>>)
        tpu.yield
      }) : () -> ()
      "tpu.region"() ({
        %run_scoped3A = tpu.sem_alloc : memref<!tpu.dma_semaphore, #tpu.memory_space<semaphore_mem>>
        %dma_start3A = arith.constant 0 : i32
        %dma_start3A_22 = tpu.memref_slice %arg2[%add3A_13, %dma_start3A] : memref<4096x1024xf32, #tpu.memory_space<hbm>> -> memref<16x1024xf32, #tpu.memory_space<hbm>>
        %dma_start3A_23 = arith.constant 0 : i32
        %dma_start3A_24 = tpu.memref_slice %arg2[%add3A_13, %dma_start3A_23] : memref<4096x1024xf32, #tpu.memory_space<hbm>> -> memref<16x1024xf32, #tpu.memory_space<hbm>>
        tpu.enqueue_dma source(%dma_start3A_24 : memref<16x1024xf32, #tpu.memory_space<hbm>>) target(%arg5 : memref<16x1024xf32, #tpu.memory_space<vmem>>) target_semaphore(%run_scoped3A : memref<!tpu.dma_semaphore, #tpu.memory_space<semaphore_mem>>)
        %dma_wait3A = arith.constant 0 : i32
        %dma_wait3A_25 = tpu.memref_slice %arg2[%add3A_13, %dma_wait3A] : memref<4096x1024xf32, #tpu.memory_space<hbm>> -> memref<16x1024xf32, #tpu.memory_space<hbm>>
        %dma_wait3A_26 = arith.constant 0 : i32
        %dma_wait3A_27 = tpu.memref_slice %arg2[%add3A_13, %dma_wait3A_26] : memref<4096x1024xf32, #tpu.memory_space<hbm>> -> memref<16x1024xf32, #tpu.memory_space<hbm>>
        tpu.wait_dma2 semaphore(%run_scoped3A : memref<!tpu.dma_semaphore, #tpu.memory_space<semaphore_mem>>) src(%dma_wait3A_27 : memref<16x1024xf32, #tpu.memory_space<hbm>>) dst(%arg5 : memref<16x1024xf32, #tpu.memory_space<vmem>>)
        tpu.yield
      }) : () -> ()
      %scan3A_14 = arith.constant 0 : i32
      %scan3A_15 = arith.constant 0 : i32
      %scan3A_16 = arith.constant 16 : i32
      %scan3A_17 = arith.addi %scan3A_15, %scan3A_16 : i32
      %scan3A_18 = arith.constant 1 : i32
      %scan3A_19 = scf.for %scan3A_22 = %scan3A_15 to %scan3A_17 step %scan3A_18 iter_args(%scan3A_23 = %scan3A_14) -> (i32)  : i32 {
        %scan3A_24 = arith.constant 0 : i32
        %scan3A_25 = arith.constant 0 : i32
        %scan3A_26 = arith.constant 64 : i32
        %scan3A_27 = arith.addi %scan3A_25, %scan3A_26 : i32
        %scan3A_28 = arith.constant 1 : i32
        %scan3A_29 = scf.for %scan3A_31 = %scan3A_25 to %scan3A_27 step %scan3A_28 iter_args(%scan3A_32 = %scan3A_24) -> (i32)  : i32 {
          %mul3A_33 = arith.constant 16 : i32
          %mul3A_34 = arith.muli %scan3A_31, %mul3A_33 : i32
          %get3A = arith.index_cast %scan3A_22 : i32 to index
          %get3A_35 = arith.index_cast %mul3A_34 : i32 to index
          %get3A_36 = tpu.vector_load %arg5[%get3A, %get3A_35] {strides = array<i32>} : memref<16x1024xf32, #tpu.memory_space<vmem>>, vector<1x16xf32>,
          %get3A_37 = vector.shape_cast %get3A_36 : vector<1x16xf32> to vector<16xf32>
          %get3A_38 = arith.index_cast %scan3A_22 : i32 to index
          %get3A_39 = arith.index_cast %mul3A_34 : i32 to index
          %get3A_40 = tpu.vector_load %arg6[%get3A_38, %get3A_39] {strides = array<i32>} : memref<16x1024xf32, #tpu.memory_space<vmem>>, vector<1x16xf32>,
          %get3A_41 = vector.shape_cast %get3A_40 : vector<1x16xf32> to vector<16xf32>
          %add3A_42 = arith.addf %get3A_37, %get3A_41 : vector<16xf32>
          %swap3A = arith.index_cast %scan3A_22 : i32 to index
          %swap3A_43 = arith.index_cast %mul3A_34 : i32 to index
          %swap3A_44 = tpu.vector_load %arg5[%swap3A, %swap3A_43] {strides = array<i32>} : memref<16x1024xf32, #tpu.memory_space<vmem>>, vector<1x16xf32>,
          %swap3A_45 = vector.shape_cast %swap3A_44 : vector<1x16xf32> to vector<16xf32>
          %swap3A_46 = vector.shape_cast %add3A_42 : vector<16xf32> to vector<1x16xf32>
          tpu.vector_store %arg5[%swap3A, %swap3A_43], %swap3A_46 {strides = array<i32>} : memref<16x1024xf32, #tpu.memory_space<vmem>>, vector<1x16xf32>,
          %scan3A_47 = arith.constant 0 : i32
          scf.yield %scan3A_47 : i32
        }
        %scan3A_30 = arith.constant 64 : i32
        scf.yield %scan3A_29 : i32
      }
      %scan3A_20 = arith.constant 16 : i32
      "tpu.region"() ({
        %run_scoped3A = tpu.sem_alloc : memref<!tpu.dma_semaphore, #tpu.memory_space<semaphore_mem>>
        %dma_start3A = arith.constant 0 : i32
        %dma_start3A_22 = tpu.memref_slice %arg4[%add3A_13, %dma_start3A] : memref<4096x1024xf32, #tpu.memory_space<hbm>> -> memref<16x1024xf32, #tpu.memory_space<hbm>>
        %dma_start3A_23 = arith.constant 0 : i32
        %dma_start3A_24 = tpu.memref_slice %arg4[%add3A_13, %dma_start3A_23] : memref<4096x1024xf32, #tpu.memory_space<hbm>> -> memref<16x1024xf32, #tpu.memory_space<hbm>>
        tpu.enqueue_dma source(%arg5 : memref<16x1024xf32, #tpu.memory_space<vmem>>) target(%dma_start3A_24 : memref<16x1024xf32, #tpu.memory_space<hbm>>) target_semaphore(%run_scoped3A : memref<!tpu.dma_semaphore, #tpu.memory_space<semaphore_mem>>)
        %dma_wait3A = arith.constant 0 : i32
        %dma_wait3A_25 = tpu.memref_slice %arg4[%add3A_13, %dma_wait3A] : memref<4096x1024xf32, #tpu.memory_space<hbm>> -> memref<16x1024xf32, #tpu.memory_space<hbm>>
        %dma_wait3A_26 = arith.constant 0 : i32
        %dma_wait3A_27 = tpu.memref_slice %arg4[%add3A_13, %dma_wait3A_26] : memref<4096x1024xf32, #tpu.memory_space<hbm>> -> memref<16x1024xf32, #tpu.memory_space<hbm>>
        tpu.wait_dma2 semaphore(%run_scoped3A : memref<!tpu.dma_semaphore, #tpu.memory_space<semaphore_mem>>) src(%arg5 : memref<16x1024xf32, #tpu.memory_space<vmem>>) dst(%dma_wait3A_27 : memref<16x1024xf32, #tpu.memory_space<hbm>>)
        tpu.yield
      }) : () -> ()
      %scan3A_21 = arith.constant 0 : i32
      scf.yield %scan3A_21 : i32
    }
    %scan3A_8 = arith.constant 8 : i32
    return
  }
}

module attributes {stable_mosaic.version = 14 : i64} {
  func.func @_tc_body(%arg0: i32, %arg1: memref<3x512x1024xf32, #tpu.memory_space<vmem>>, %arg2: memref<512x1024xf32, #tpu.memory_space<vmem>>, %arg3: memref<3x512x1024xf32, #tpu.memory_space<vmem>>) attributes {dimension_semantics = [#tpu.dimension_semantics<arbitrary>], iteration_bounds = array<i64: 8>, scalar_prefetch = 0 : i64, scratch_operands = 0 : i64, tpu.core_type = #tpu.core_type<tc>, window_params = [{transform_indices = @transform_0, window_bounds = array<i64: 3, 512, 1024>}, {transform_indices = @transform_1, window_bounds = array<i64: 512, 1024>}, {transform_indices = @transform_2, window_bounds = array<i64: 3, 512, 1024>}]} {
    %get3A = arith.constant 0 : index
    %get3A_0 = arith.constant 0 : index
    %get3A_1 = arith.constant 0 : index
    %get3A_2 = vector.load %arg1[%get3A, %get3A_0, %get3A_1] : memref<3x512x1024xf32, #tpu.memory_space<vmem>>, vector<3x512x1024xf32>
    %get3A_3 = arith.constant 0 : index
    %get3A_4 = arith.constant 0 : index
    %get3A_5 = vector.load %arg2[%get3A_3, %get3A_4] : memref<512x1024xf32, #tpu.memory_space<vmem>>, vector<512x1024xf32>
    %broadcast_in_dim3A = vector.shape_cast %get3A_5 : vector<512x1024xf32> to vector<1x512x1024xf32>
    %add3A = vector.broadcast %broadcast_in_dim3A : vector<1x512x1024xf32> to vector<3x512x1024xf32>
    %add3A_6 = arith.addf %get3A_2, %add3A : vector<3x512x1024xf32>
    %swap3A = arith.constant 0 : index
    %swap3A_7 = arith.constant 0 : index
    %swap3A_8 = arith.constant 0 : index
    %swap3A_9 = vector.load %arg3[%swap3A, %swap3A_7, %swap3A_8] : memref<3x512x1024xf32, #tpu.memory_space<vmem>>, vector<3x512x1024xf32>
    tpu.vector_store %arg3[%swap3A, %swap3A_7, %swap3A_8], %add3A_6 {strides = array<i32>} : memref<3x512x1024xf32, #tpu.memory_space<vmem>>, vector<3x512x1024xf32>,
    return
  }
  func.func @transform_0(%arg0: i32) -> (i32, i32, i32) {
    %c0_i32 = arith.constant 0 : i32
    %c0_i32_0 = arith.constant 0 : i32
    %c0_i32_1 = arith.constant 0 : i32
    return %c0_i32, %arg0, %c0_i32_0 : i32, i32, i32
  }
  func.func @transform_1(%arg0: i32) -> (i32, i32) {
    %c0_i32 = arith.constant 0 : i32
    %c0_i32_0 = arith.constant 0 : i32
    return %arg0, %c0_i32 : i32, i32
  }
  func.func @transform_2(%arg0: i32) -> (i32, i32, i32) {
    %c0_i32 = arith.constant 0 : i32
    %c0_i32_0 = arith.constant 0 : i32
    %c0_i32_1 = arith.constant 0 : i32
    return %c0_i32, %arg0, %c0_i32_0 : i32, i32, i32
  }
}

</mosaic_0001>

<sc_bundles>
// kernel: kernel.4.cloned.1.call-start
scs
__scs_entry_jumppad:
0x0: {  	(pc) =	sbr.rel $0x88, $3  }
0x1: {  	(tag) =	ssettag $0x0;
	lr =	simm.s32 $0x1  }
0x2: {  	[smem:$0x3F9F] =	sst lr;
	_ =	strace $0xD0000000  }
0x3: {  	_ = 	snop  }
0x4: {  	_ = 	snop  }
0x5: {  	_ = 	snop  }
0x6: {  	_ = 	snop  }
0x7: {  	_ = 	snop  }
__scs_overlays_trampoline_lowered:
0x8: {  	[smem:$0x3FAE] =	sst s0  }
0x9: {  	[smem:$0x3FAF] =	sst s1  }
0xa: {  	[smem:$0x3FB0] =	sst s2  }
0xb: {  	[smem:$0x3FB1] =	sst s3  }
0xc: {  	[smem:$0x3FB2] =	sst s4  }
0xd: {  	[smem:$0x3FB3] =	sst s5  }
0xe: {  	[smem:$0x3FB4] =	sst s6  }
0xf: {  	[smem:$0x3FB5] =	sst s7  }
0x10: {  	[smem:$0x3FB6] =	sst s8  }
0x11: {  	[smem:$0x3FB7] =	sst s9;
	s0 =	simm.s32 @!p0 $0x0  }
0x12: {  	s1 =	sld [smem:$0x3F9D];
	s0 =	simm.s32 @p0 $0x1  }
0x13: {  	[smem:$0x3FB8] =	sst s0;
	s0 =	simm.s32 @!p1 $0x0  }
0x14: {  	s2 =	sld [smem:$0x3F9C];
	s0 =	simm.s32 @p1 $0x1  }
0x15: {  	[smem:$0x3FB9] =	sst s0;
	s0 =	simm.s32 @!p2 $0x0  }
0x16: {  	s3 =	sld [smem:$0x3FDB];
	s0 =	simm.s32 @p2 $0x1  }
0x17: {  	s4 =	simm.s32 $0x1BF5;
	[smem:$0x3FBB] =	sst s0  }
0x18: {  	s0 =	sld [smem:$0x3F9E];
	_ =	swait.ge [sflag:s4], $0x0  }
0x19: {  	s7 =	sld [smem:$0x3F9F]  }
0x1a: {  	s8 =	sadd.s32 $0xFFFFE003, lr  }
0x1b: {  	s9 =	sadd.s32 $0xFFFFFEF7, lr;
	s5 =	simm.s32 $0xFFFFFFFF;
	p2 =	slt.u32 s8, $0xFFFFF086  }
0x1c: {  	p1 =	slt.u32 s9, $0xF7A;
	s5 =	simm.s32 @!p2 $0x0  }
0x1d: {  	s5 =	simm.s32 @p1 $0x1;
	p0 =	seq.s32 s7, s2  }
0x1e: {  	s7 =	smul.u32 @!p0 $0xF7A, s2;
	p2 =	seq.s32 @!p0 s5, $0x0  }
0x1f: {  	s9 =	smul.u32 $0xF7A, s1;
	s8 =	simm.s32 @!p0 $0x1BF5;
	p2 =	por !p2, p0  }
0x20: {  	[sflag:s8] =	ssyncset.s32 @!p0 $0xFFFFF086;
	s6 =	sadd.s32 @!p0 s3, s7;
	s7 =	simm.s32 @!p0 $0x108  }
0x21: {  	s3 =	sadd.s32 s3, s9;
	s6 =	sadd.s32 @!p0 $0x88, s6;
	s7 =	simm.s32 @p2 $0x1082  }
0x22: {  	[simem:s7], [sflag:s8] =	dma.local @!p0 [hbm:s6], $0xF7A  }
0x23: {  	s9 =	sor.u32 $0xD0000000, s2;
	s6 =	simm.s32 $0x108;
	_ =	swait.ge @!p0 [sflag:s8], $0x0  }
0x24: {  	s3 =	sadd.s32 $0x88, s3;
	s6 =	simm.s32 @!p1 $0x1082;
	[sflag:s4] =	ssyncset.s32 $0xFFFFF086  }
0x25: {  	[simem:s6], [sflag:s4] =	dma.local [hbm:s3], $0xF7A  }
0x26: {  	[smem:$0x3F9F] =	sst s1;
	(tag) =	ssettag s2;
	_ =	strace s9  }
0x27: {  	s1 =	sld [smem:$0x3FAF]  }
0x28: {  	s2 =	sld [smem:$0x3FB0]  }
0x29: {  	s4 =	sld [smem:$0x3FB2]  }
0x2a: {  	p0 =	seq.s32 s5, $0x0;
	s5 =	sld [smem:$0x3FB3]  }
0x2b: {  	s6 =	sld [smem:$0x3FB4]  }
0x2c: {  	s7 =	sld [smem:$0x3FB5]  }
0x2d: {  	s3 =	simm.s32 $0x108;
	s8 =	sld [smem:$0x3FB6]  }
0x2e: {  	s3 =	simm.s32 @!p0 $0x1082;
	s9 =	sld [smem:$0x3FB7]  }
0x2f: {  	lr =	sadd.s32 s0, s3;
	s0 =	sld [smem:$0x3FAE]  }
0x30: {  	s3 =	sld [smem:$0x3FB1]  }
0x31: {  	[smem:$0x3FBA] =	sst s10  }
0x32: {  	s10 =	sld [smem:$0x3FB8];
	_ =	sdelay $0x3  }
0x33: {  	p0 =	seq.s32 s10, $0x1;
	s10 =	sld [smem:$0x3FBA];
	_ =	sdelay $0x3  }
0x34: {  	[smem:$0x3FBA] =	sst s10  }
0x35: {  	s10 =	sld [smem:$0x3FB9];
	_ =	sdelay $0x3  }
0x36: {  	p1 =	seq.s32 s10, $0x1;
	s10 =	sld [smem:$0x3FBA];
	_ =	sdelay $0x3  }
0x37: {  	[smem:$0x3FBA] =	sst s10  }
0x38: {  	s10 =	sld [smem:$0x3FBB]  }
0x39: {  	_ = 	snop;
	(pc) =	sbr.ind lr, $3  }
0x3a: {  	_ = 	snop  }
0x3b: {  	_ = 	snop  }
0x3c: {  	p2 =	seq.s32 s10, $0x1;
	s10 =	sld [smem:$0x3FBA]  }
0x3d: {  	_ =	shalt  }
0x3e: {  	_ =	shalt  }
0x3f: {  	_ =	shalt  }
0x40: {  	_ =	shalt  }
0x41: {  	_ =	shalt  }
0x42: {  	_ =	shalt  }
0x43: {  	_ =	shalt  }
0x44: {  	_ =	shalt  }
0x45: {  	_ =	shalt  }
0x46: {  	_ =	shalt  }
0x47: {  	_ =	shalt  }
0x48: {  	_ =	shalt  }
0x49: {  	_ =	shalt  }
0x4a: {  	_ =	shalt  }
0x4b: {  	_ =	shalt  }
0x4c: {  	_ =	shalt  }
0x4d: {  	_ =	shalt  }
0x4e: {  	_ =	shalt  }
0x4f: {  	_ =	shalt  }
0x50: {  	_ =	shalt  }
0x51: {  	_ =	shalt  }
0x52: {  	_ =	shalt  }
0x53: {  	_ =	shalt  }
0x54: {  	_ =	shalt  }
0x55: {  	_ =	shalt  }
0x56: {  	_ =	shalt  }
0x57: {  	_ =	shalt  }
0x58: {  	_ =	shalt  }
0x59: {  	_ =	shalt  }
0x5a: {  	_ =	shalt  }
0x5b: {  	_ =	shalt  }
0x5c: {  	_ =	shalt  }
0x5d: {  	_ =	shalt  }
0x5e: {  	_ =	shalt  }
0x5f: {  	_ =	shalt  }
0x60: {  	_ =	shalt  }
0x61: {  	_ =	shalt  }
0x62: {  	_ =	shalt  }
0x63: {  	_ =	shalt  }
0x64: {  	_ =	shalt  }
0x65: {  	_ =	shalt  }
0x66: {  	_ =	shalt  }
0x67: {  	_ =	shalt  }
0x68: {  	_ =	shalt  }
0x69: {  	_ =	shalt  }
0x6a: {  	_ =	shalt  }
0x6b: {  	_ =	shalt  }
0x6c: {  	_ =	shalt  }
0x6d: {  	_ =	shalt  }
0x6e: {  	_ =	shalt  }
0x6f: {  	_ =	shalt  }
0x70: {  	_ =	shalt  }
0x71: {  	_ =	shalt  }
0x72: {  	_ =	shalt  }
0x73: {  	_ =	shalt  }
0x74: {  	_ =	shalt  }
0x75: {  	_ =	shalt  }
0x76: {  	_ =	shalt  }
0x77: {  	_ =	shalt  }
0x78: {  	_ =	shalt  }
0x79: {  	_ =	shalt  }
0x7a: {  	_ =	shalt  }
0x7b: {  	_ =	shalt  }
0x7c: {  	_ =	shalt  }
0x7d: {  	_ =	shalt  }
0x7e: {  	_ =	shalt  }
0x7f: {  	_ =	shalt  }
0x80: {  	_ =	shalt  }
0x81: {  	_ =	shalt  }
0x82: {  	_ =	shalt  }
0x83: {  	_ =	shalt  }
0x84: {  	_ =	shalt  }
0x85: {  	_ =	shalt  }
0x86: {  	_ =	shalt  }
0x87: {  	_ =	shalt  }
.Lfunc_end0:
.L_simem_size_0:
called_computation_lowered:
.L_overlay_start_0:
0x88: {  	s2 =	sld [smem:$0x3FD9]  }
0x89: {  	s3 =	sld [smem:$0x3FFE];
	_ =	sdelay $0x1  }
0x8a: {  	s1 =	srdreg.scid  }
0x8b: {  	s0 =	sand.u32 $0x1, s1  }
0x8c: {  	s17 =	sshll.u32 s0, $0xA;
	s2 =	sadd.s32 s3, s2  }
0x8d: {  	s2 =	sadd.s32 s2, s17  }
0x8e: {  	[smem:$0x3FC6] =	sst s2  }
0x8f: {  	_ = 	snop  }
0x90: {  	s2 =	sld [smem:$0x3FC8];
	(tm) =	ssettm $0x1  }
0x91: {  	s18 =	sld [smem:$0x3FFB];
	_ =	sdelay $0x3  }
0x92: {  	_ =	strace s18  }
0x93: {  	s3 =	sld [smem:$0x3FFC];
	_ =	sdelay $0x3  }
0x94: {  	_ =	strace s3  }
0x95: {  	s3 =	sld [smem:$0x3FFD];
	_ =	sdelay $0x3  }
0x96: {  	_ =	strace s3  }
0x97: {  	_ =	strace $0x8FFFFFFF  }
0x98: {  	s19 =	sld [smem:$0x3FDB];
	_ =	sdelay $0x1  }
0x99: {  	s4 =	simm.s32 $_scs_section_size  }
0x9a: {  	s5 =	simm.s32 $_size__tile_overlayer_lowered;
	s6 =	simm.s32 $_tile_overlayer_lowered  }
0x9b: {  	s22 =	simm.s32 $0x1BFF;
	s21 =	sshll.u32 s6, $0x1;
	s3 =	sadd.s32 s4, s19  }
0x9c: {  	s7 =	simm.s32 $0x0;
	s20 =	sshll.u32 s5, $0x1;
	s5 =	sadd.s32 s21, s3  }
0x9d: {  	[timem:s7], [sflag:s22] =	dma.local [hbm:s5], s20  }
0x9e: {  	_ =	swait.ge [sflag:s22], s20  }
0x9f: {  	s4 =	ssub.s32 $0x0, s20;
	[sflag:s22] =	ssyncset.done $0x0  }
0xa0: {  	[sflag:s22] =	ssyncadd.s32 s4;
	_ =	sdelay $0x1  }
0xa1: {  	s23 =	simm.s32 $0x1B8B  }
0xa2: {  	_ =	swait.ge [sflag:s23], $0x1  }
0xa3: {  	[sflag:s23] =	ssyncset.done $0x0  }
0xa4: {  	s25 =	simm.s32 $0x1B8E;
	s24 =	sld [smem:$0x3FFE];
	[sflag:s23] =	ssyncadd.s32 $0xFFFFFFFF  }
0xa5: {  	s26 =	simm.s32 $execute0_lowered;
	[smem:$0x3FD2] =	sst s25  }
0xa6: {  	s5 =	sshll.u32 s26, $0x1;
	_ =	strace $0x80000046;
	[dreg:$0x1] =	wrdreg $0xFFFFFFFF  }
0xa7: {  	s28 =	simm.s32 $_size_execute0_lowered;
	s3 =	sadd.s32 s3, s5;
	[dreg:$0x0] =	wrdreg $0x0  }
0xa8: {  	s5 =	sshll.u32 s28, $0x1;
	[dreg:$0x2] =	wrdreg s3  }
0xa9: {  	[dreg:$0x3] =	wrdreg s5  }
0xaa: {  	[dreg:$0x4] =	wrdreg $0xC0  }
0xab: {  	_ =	task [dreg:s7], $0x5FFFF  }
0xac: {  	[dreg:$0x1] =	wrdreg $0xFFFFFFFF  }
0xad: {  	[dreg:$0x0] =	wrdreg $0x60  }
0xae: {  	[dreg:$0x2] =	wrdreg s24  }
0xaf: {  	[dreg:$0x3] =	wrdreg s2  }
0xb0: {  	[dreg:$0x4] =	wrdreg $0x9  }
0xb1: {  	_ =	task.clear_ibuf [dreg:s7], $0x5FFFF;
	_ =	strace $0x90000046  }
0xb2: {  	s29 =	simm.s32 $0x9;
	_ =	strace $0x80000048  }
0xb3: {  	_ =	swait.ge [sflag:s29], $0x1  }
0xb4: {  	[sflag:s29] =	ssyncadd.s32 $0xFFFFFFFF  }
0xb5: {  	_ =	strace $0x90000048  }
0xb6: {  	_ =	sfence  }
0xb7: {  	s30 =	sld [smem:$0x0];
	_ =	sdelay $0x2  }
0xb8: {  	s31 =	sshll.u32 s1, $0xD;
	s1 =	sshrl.u32 s1, $0x2  }
0xb9: {  	s3 =	sand.u32 $0x4000, s31;
	s1 =	sadd.s32 s1, s30  }
0xba: {  	s0 =	sor.u32 s3, s0;
	s1 =	sshll.u32 s1, $0x11  }
0xbb: {  	s0 =	sor.u32 s1, s0  }
0xbc: {  	s0 =	sadd.s32 $0x8F2B, s0  }
0xbd: {  	[sflag:s0] =	ssyncadd.remote.s32 $0x1  }
0xbe: {  	_ =	sfence.sel $0xFFFF  }
0xbf: {  	[dreg:$0x0] =	wrdreg $0xFFFFFFFF;
	(pc) =	sbr.abs _section_cstart, $3  }
0xc0: {  	[dreg:$0x1] =	wrdreg $0xFFFFFFFF  }
0xc1: {  	_ =	task.clear_ibuf [dreg:s7], $0x2FFFF;
	_ =	strace $0x9FFFFFFF  }
0xc2: {  	(tm) =	ssettm $0x7FFFFFFF  }
0xc3: {  	_ =	shalt  }
tec
execute0_lowered:
.L_overlay_start_1:
0x0: {  	(tag) =	ssettag $0x1  }
0x1: {  	s5 =	rddreg [dreg:$0x0]  }
0x2: {  	s1 =	rddreg [dreg:$0x1]  }
0x3: {  	s0 =	rddreg [dreg:$0x2];
	s2 =	simm.s32 $0x0  }
0x4: {  	s3 =	srdreg.scid;
	s9 =	simm.s32 $0x1;
	s10 =	simm.s32 $0x0  }
0x5: {  	s13 =	simm.s32 $0x0;
	[smem:$0x7FF] =	sst s2;
	s6 =	sand.u32 $0x1, s3  }
0x6: {  	s4 =	sadd.s32 $0x1400, s5;
	s3 =	stileid.u32;
	s7 =	ssub.s32 $0x2, s6  }
0x7: {  	s5 =	sadd.s32 $0x81400, s5;
	_ =	strace $0x80000047;
	s8 =	sshrl.u32 s7, $0x1  }
0x8: {  	s31 =	sshll.u32 s3, $0xF;
	s6 =	sshll.u32 s6, $0xE;
	s7 =	ssub.s32 s7, s8  }
0x9: {  	s6 =	sor.u32 s6, s31;
	s8 =	simm.s32 $0x4000;
	s7 =	smax.u32 s7, $0x1  }
.LBB2_1:
0xa: {  	s11 =	simm.s32 $0x0  }
.LBB2_2:
0xb: {  	s12 =	sshll.u32 s11, $0xB  }
0xc: {  	s12 =	sadd.s32 s6, s12  }
0xd: {  	s14 =	sadd.s32 s1, s12  }
0xe: {  	[tilespmem:s8], [sflag:$0x1] =	stream.linear.gather [hbm4b:s14+s13], $0x4000, $0x38;
	[tilespmem:$0x8000] =	vst v63  }
0xf: {  	_ =	swait.ge [sflag:s9], $0x4000  }
0x10: {  	[sflag:s9] =	ssyncset.done $0x0  }
0x11: {  	s31 =	sadd.s32 s4, s12;
	[sflag:s9] =	ssyncadd.s32 $0xFFFFC000  }
0x12: {  	[tilespmem:s13], [sflag:$0x1] =	stream.linear.gather [hbm4b:s31+s13], $0x4000, $0x38;
	[tilespmem:$0x8000] =	vst v63  }
0x13: {  	_ =	swait.ge [sflag:s9], $0x4000  }
0x14: {  	[sflag:s9] =	ssyncset.done $0x0  }
0x15: {  	s14 =	simm.s32 $0x0;
	[sflag:s9] =	ssyncadd.s32 $0xFFFFC000  }
.LBB2_3:
0x16: {  	s15 =	sshll.u32 s14, $0xA;
	s16 =	sshll.u32 s14, $0x7  }
0x17: {  	s15 =	sand.u32 $0x2000, s15;
	s16 =	sand.u32 $0x380, s16  }
0x18: {  	s31 =	sand.u32 $0x1C00, s13;
	s15 =	sor.u32 s15, s16  }
0x19: {  	s17 =	sand.u32 $0x70, s13;
	s16 =	sor.u32 s31, s15  }
0x1a: {  	s16 =	sor.u32 s17, s16  }
0x1b: {  	v0 =	vld [tilespmem:s16+$0x4000]  }
0x1c: {  	v1 =	vld [tilespmem:s16+$0x0];
	_ =	sdelay $0x2  }
0x1d: {  	s17 =	simm.s32 $0x80  }
0x1e: {  	s18 =	simm.s32 $0x10;
	s20 =	sand.u32 $0x1C00, s17  }
0x1f: {  	s19 =	sand.u32 $0x70, s18;
	s18 =	simm.s32 $0x20;
	s20 =	sor.u32 s20, s15;
	v0 =	vadd.f32 v0, v1  }
.LBB2_4:
0x20: {  	p0 =	sne.s32 s18, $0x3F0;
	s19 =	sor.u32 s19, s20  }
0x21: {  	v1 =	vld [tilespmem:s19+$0x4000];
	[tilespmem:s16+$0x0] =	vst v0;
	s16 =	smov.u32 s19  }
0x22: {  	v0 =	vld [tilespmem:s16+$0x0]  }
.Ltmp0:
0x23: {  	(pc) =	sbr.rel @p0 .LBB2_4-.Ltmp0, $4  }
0x24: {  	_ = 	snop  }
0x25: {  	s17 =	sadd.s32 $0x80, s17  }
0x26: {  	s20 =	sand.u32 $0x1C00, s17  }
0x27: {  	s19 =	sand.u32 $0x70, s18;
	s18 =	sadd.s32 $0x10, s18;
	s20 =	sor.u32 s20, s15;
	v0 =	vadd.f32 v1, v0  }
0x28: {  	s15 =	sor.u32 s19, s20  }
0x29: {  	v1 =	vld [tilespmem:s15+$0x4000];
	[tilespmem:s16+$0x0] =	vst v0  }
0x2a: {  	v0 =	vld [tilespmem:s15+$0x0]  }
0x2b: {  	s14 =	sadd.s32 $0x1, s14  }
0x2c: {  	p0 =	sne.s32 s14, $0x10  }
.Ltmp1:
0x2d: {  	_ = 	snop;
	(pc) =	sbr.rel @p0 .LBB2_3-.Ltmp1, $3  }
0x2e: {  	_ = 	snop  }
0x2f: {  	v0 =	vadd.f32 v1, v0;
	_ =	sdelay $0x1  }
0x30: {  	[tilespmem:s15+$0x0] =	vst v0  }
0x31: {  	s11 =	sadd.s32 $0x1, s11  }
0x32: {  	p0 =	sne.s32 s11, $0x8  }
.Ltmp2:
0x33: {  	s12 =	sadd.s32 s5, s12;
	(pc) =	sbr.rel @p0 .LBB2_2-.Ltmp2, $4  }
0x34: {  	[hbm4b:s12+s2] =	stream.linear.scatter [tilespmem:s2], [sflag:$0x1], $0x4000, $0x38;
	[tilespmem:$0x8000] =	vst v63  }
0x35: {  	_ =	swait.ge [sflag:s9], $0x4000  }
0x36: {  	[sflag:s9] =	ssyncset.done $0x0  }
0x37: {  	[sflag:s9] =	ssyncadd.s32 $0xFFFFC000  }
0x38: {  	s10 =	sadd.s32 $0x1, s10  }
0x39: {  	p0 =	sne.s32 s10, s7  }
.Ltmp3:
0x3a: {  	_ = 	snop;
	(pc) =	sbr.rel @p0 .LBB2_1-.Ltmp3, $1  }
0x3b: {  	_ =	sdelay $0x3  }
0x3c: {  	_ =	sfence.sel $0x180000  }
0x3d: {  	[bflag:$0x0] =	sbarrier.arrive $0xFFFF  }
0x3e: {  	p0 =	sne.s32 s3, $0x0;
	_ =	strace $0x90000047  }
0x3f: {  	s0 =	sadd.s32 @!p0 $0x100000, s0;
	[bflag:$0x2] =	sbarrier.arrive $0xFFFF  }
0x40: {  	[sflag:s0] =	ssyncadd.tile.s32 @!p0 $0x1;
	_ =	shalt  }
.Lfunc_end2:
_tile_overlayer_lowered:
.L_overlay_start_2:
0x41: {  	(tag) =	ssettag $0x2  }
0x42: {  	s0 =	rddreg [dreg:$0x0];
	s2 =	stileid.u32  }
0x43: {  	s1 =	rddreg [dreg:$0x1];
	p0 =	sne.s32 s2, $0x0  }
0x44: {  	s3 =	rddreg [dreg:$0x2];
	[bflag:$0x3] =	sbarrier.arrive $0xFFFF;
	s2 =	simm.s32 @!p0 $0x1C01  }
0x45: {  	[timem:s3], [sflag:s2] =	dma.local @!p0 [hbm:s0], s1  }
0x46: {  	s0 =	simm.s32 @!p0 $0x1  }
0x47: {  	_ =	swait.ge @!p0 [sflag:s0], s1  }
0x48: {  	s1 =	ssub.s32 @!p0 $0x0, s1;
	[sflag:s0] =	ssyncset.done @!p0 $0x0  }
0x49: {  	[sflag:s0] =	ssyncadd.s32 @!p0 s1  }
0x4a: {  	[bflag:$0x3] =	sbarrier.arrive $0xFFFF  }
0x4b: {  	_ =	shalt  }

</sc_bundles>
